<compile_context>
chip_gen: v7x
topology: tpu7x:2x2x1
jax: 0.10.2.dev20260603
libtpu: 0.0.44.dev20260713+nightly
codegen_flags: <defaults>
</compile_context>

<pallas_src>
import functools

import jax
import jax.numpy as jnp
from jax import lax
from jax.experimental import pallas as pl
from jax.experimental.pallas import tpu as pltpu
from jax.experimental.pallas import tpu_sc as plsc

_NC = 2
_NS = 16
_NW = _NC * _NS
_LANES = 16

_CHUNK = 128
_RB = 20480


def _fold_table_kernel(emb_ref, w_ref, b_ref, p_ref):
    p_ref[...] = lax.dot_general(
        w_ref[...], emb_ref[...],
        dimension_numbers=(((1,), (1,)), ((), ())),
        preferred_element_type=jnp.float32,
    ) + b_ref[...]


def _fold_table(emb_table, W, b, v_pad):
    V, D = emb_table.shape
    return pl.pallas_call(
        _fold_table_kernel,
        grid=(v_pad // _RB,),
        in_specs=[
            pl.BlockSpec((_RB, D), lambda i: (i, 0)),
            pl.BlockSpec((1, D), lambda i: (0, 0)),
            pl.BlockSpec((1, 1), lambda i: (0, 0)),
        ],
        out_specs=pl.BlockSpec((1, _RB), lambda i: (0, i)),
        out_shape=jax.ShapeDtypeStruct((1, v_pad), jnp.float32),
    )(emb_table, W, b.reshape(1, 1))


def _make_sc_pool(V, B, S):
    cols_per_w = B // _NW
    n_chunks = cols_per_w // _CHUNK
    groups = _CHUNK // _LANES
    inv_s = 1.0 / S
    mesh = plsc.VectorSubcoreMesh(
        core_axis_name="c", subcore_axis_name="s",
        num_cores=_NC, num_subcores=_NS,
    )

    @functools.partial(
        pl.kernel,
        out_type=jax.ShapeDtypeStruct((B,), jnp.float32),
        mesh=mesh,
        scratch_types=[
            pltpu.VMEM((V,), jnp.float32),
            pltpu.VMEM((S, _CHUNK), jnp.int32),
            pltpu.VMEM((_CHUNK,), jnp.float32),
        ],
        compiler_params=pltpu.CompilerParams(needs_layout_passes=False),
    )
    def sc_pool(p_hbm, idx_hbm, out_hbm, p_v, chunk_v, out_v):
        wid = lax.axis_index("s") * _NC + lax.axis_index("c")
        pltpu.sync_copy(p_hbm, p_v)
        zero = jnp.zeros((_LANES,), jnp.float32)

        def chunk_body(c, carry):
            base = (wid * n_chunks + c) * _CHUNK
            pltpu.sync_copy(idx_hbm.at[:, pl.ds(base, _CHUNK)], chunk_v)

            def s_body(s2, accs):
                out = list(accs)
                for j in range(2):
                    s = s2 * 2 + j
                    for g in range(groups):
                        ids = chunk_v[s, pl.ds(g * _LANES, _LANES)]
                        out[g] = out[g] + plsc.load_gather(p_v, [ids])
                return tuple(out)

            accs = lax.fori_loop(0, S // 2, s_body, (zero,) * groups)
            for g in range(groups):
                z = accs[g] * inv_s
                out_v[pl.ds(g * _LANES, _LANES)] = 1.0 / (1.0 + jnp.exp(-z))
            pltpu.sync_copy(out_v, out_hbm.at[pl.ds(base, _CHUNK)])
            return carry

        lax.fori_loop(0, n_chunks, chunk_body, 0)

    return sc_pool


def kernel(text, emb_table, W, b):
    B, S = text.shape
    V, _D = emb_table.shape
    v_pad = -(-V // _RB) * _RB
    p = _fold_table(emb_table, W, b, v_pad).reshape(v_pad)
    out = _make_sc_pool(v_pad, B, S)(p, text.T)
    return out.reshape(B, 1)

# --- scband reference (transcript-rebuilt; emitter-appended) ---
"""Pipeline reference for scband-simple-nn-68582037782787 (READ-ONLY COPY).

The authoritative reference and input builder live on the scoring server;
editing this copy changes nothing except your own understanding.
"""

import jax, jax.numpy as jnp
import numpy as np

VOCAB_SIZE = 100000
EMBED_DIM = 128
OUTPUT_DIM = 1
BATCH = 16384
SEQ = 200

def setup_inputs(seed: int = 0) -> dict:
    key = jax.random.key(seed)
    k_text, k_emb, k_w, k_b = jax.random.split(key, 4)
    text = jax.random.randint(k_text, (BATCH, SEQ), 0, VOCAB_SIZE, dtype=jnp.int64 if jax.config.jax_enable_x64 else jnp.int32)
    emb_table = jax.random.normal(k_emb, (VOCAB_SIZE, EMBED_DIM), dtype=jnp.float32) * 0.02
    W = jax.random.normal(k_w, (OUTPUT_DIM, EMBED_DIM), dtype=jnp.float32) * 0.02
    b = jnp.zeros((OUTPUT_DIM,), dtype=jnp.float32)
    return {"text": text, "emb_table": emb_table, "W": W, "b": b}

def reference(text, emb_table, W, b):
    # embedding lookup (gather)
    embedded = jnp.take(emb_table, text, axis=0)  # [B, S, D]
    pooled = jnp.mean(embedded, axis=1)           # [B, D]
    out = pooled @ W.T + b                        # [B, 1]
    return jax.nn.sigmoid(out)

if __name__ == "__main__":
    import jax
    _d = setup_inputs()
    print(jax.jit(kernel)(*tuple(_d.values())))

</pallas_src>

<mosaic_0001>
#map = affine_map<(d0, d1) -> (0)>
#map1 = affine_map<(d0, d1) -> (0, 0)>
module attributes {stable_mosaic.version = 14 : i64} {
  func.func @sc_pool(%arg0: i32, %arg1: i32, %arg2: memref<102400xf32, #tpu.memory_space<hbm>>, %arg3: memref<200x16384xi32, #tpu.memory_space<hbm>>, %arg4: memref<16384xf32, #tpu.memory_space<hbm>>, %arg5: memref<102400xf32, #tpu.memory_space<vmem>>, %arg6: memref<200x128xi32, #tpu.memory_space<vmem>>, %arg7: memref<128xf32, #tpu.memory_space<vmem>>) attributes {dimension_semantics = [#tpu.dimension_semantics<core_parallel>, #tpu.dimension_semantics<subcore_parallel>], iteration_bounds = array<i64: 2, 16>, scalar_prefetch = 0 : i64, scratch_operands = 3 : i64, tpu.core_type = #tpu.core_type<sc_vector_subcore>, window_params = [{transform_indices = #map}, {transform_indices = #map1}, {transform_indices = #map}]} {
    %mul3A = arith.constant 2 : i32
    %mul3A_0 = arith.muli %arg1, %mul3A : i32
    %add3A = arith.addi %mul3A_0, %arg0 : i32
    "tpu.region"() ({
      %run_scoped3A = tpu.sem_alloc : memref<!tpu.dma_semaphore, #tpu.memory_space<semaphore_mem>>
      tpu.enqueue_dma source(%arg2 : memref<102400xf32, #tpu.memory_space<hbm>>) target(%arg5 : memref<102400xf32, #tpu.memory_space<vmem>>) target_semaphore(%run_scoped3A : memref<!tpu.dma_semaphore, #tpu.memory_space<semaphore_mem>>)
      tpu.wait_dma2 semaphore(%run_scoped3A : memref<!tpu.dma_semaphore, #tpu.memory_space<semaphore_mem>>) src(%arg2 : memref<102400xf32, #tpu.memory_space<hbm>>) dst(%arg5 : memref<102400xf32, #tpu.memory_space<vmem>>)
      tpu.yield
    }) : () -> ()
    %broadcast_in_dim3A = arith.constant 0.000000e+00 : f32
    %broadcast_in_dim3A_1 = vector.broadcast %broadcast_in_dim3A : f32 to vector<16xf32>
    %scan3A = arith.constant 0 : i32
    %scan3A_2 = arith.constant 0 : i32
    %scan3A_3 = arith.constant 4 : i32
    %scan3A_4 = arith.addi %scan3A_2, %scan3A_3 : i32
    %scan3A_5 = arith.constant 1 : i32
    scf.for %scan3A_7 = %scan3A_2 to %scan3A_4 step %scan3A_5  : i32 {
      %mul3A_8 = arith.constant 4 : i32
      %mul3A_9 = arith.muli %add3A, %mul3A_8 : i32
      %add3A_10 = arith.addi %mul3A_9, %scan3A_7 : i32
      %mul3A_11 = arith.constant 128 : i32
      %mul3A_12 = arith.muli %add3A_10, %mul3A_11 : i32
      "tpu.region"() ({
        %run_scoped3A = tpu.sem_alloc : memref<!tpu.dma_semaphore, #tpu.memory_space<semaphore_mem>>
        %dma_start3A = arith.constant 0 : i32
        %dma_start3A_135 = tpu.memref_slice %arg3[%dma_start3A, %mul3A_12] : memref<200x16384xi32, #tpu.memory_space<hbm>> -> memref<200x128xi32, #tpu.memory_space<hbm>>
        %dma_start3A_136 = arith.constant 0 : i32
        %dma_start3A_137 = tpu.memref_slice %arg3[%dma_start3A_136, %mul3A_12] : memref<200x16384xi32, #tpu.memory_space<hbm>> -> memref<200x128xi32, #tpu.memory_space<hbm>>
        tpu.enqueue_dma source(%dma_start3A_137 : memref<200x128xi32, #tpu.memory_space<hbm>>) target(%arg6 : memref<200x128xi32, #tpu.memory_space<vmem>>) target_semaphore(%run_scoped3A : memref<!tpu.dma_semaphore, #tpu.memory_space<semaphore_mem>>)
        %dma_wait3A = arith.constant 0 : i32
        %dma_wait3A_138 = tpu.memref_slice %arg3[%dma_wait3A, %mul3A_12] : memref<200x16384xi32, #tpu.memory_space<hbm>> -> memref<200x128xi32, #tpu.memory_space<hbm>>
        %dma_wait3A_139 = arith.constant 0 : i32
        %dma_wait3A_140 = tpu.memref_slice %arg3[%dma_wait3A_139, %mul3A_12] : memref<200x16384xi32, #tpu.memory_space<hbm>> -> memref<200x128xi32, #tpu.memory_space<hbm>>
        tpu.wait_dma2 semaphore(%run_scoped3A : memref<!tpu.dma_semaphore, #tpu.memory_space<semaphore_mem>>) src(%dma_wait3A_140 : memref<200x128xi32, #tpu.memory_space<hbm>>) dst(%arg6 : memref<200x128xi32, #tpu.memory_space<vmem>>)
        tpu.yield
      }) : () -> ()
      %scan3A_13 = arith.constant 0 : i32
      %scan3A_14 = arith.constant 100 : i32
      %scan3A_15 = arith.addi %scan3A_13, %scan3A_14 : i32
      %scan3A_16 = arith.constant 1 : i32
      %scan3A_17:8 = scf.for %scan3A_135 = %scan3A_13 to %scan3A_15 step %scan3A_16 iter_args(%scan3A_136 = %broadcast_in_dim3A_1, %scan3A_137 = %broadcast_in_dim3A_1, %scan3A_138 = %broadcast_in_dim3A_1, %scan3A_139 = %broadcast_in_dim3A_1, %scan3A_140 = %broadcast_in_dim3A_1, %scan3A_141 = %broadcast_in_dim3A_1, %scan3A_142 = %broadcast_in_dim3A_1, %scan3A_143 = %broadcast_in_dim3A_1) -> (vector<16xf32>, vector<16xf32>, vector<16xf32>, vector<16xf32>, vector<16xf32>, vector<16xf32>, vector<16xf32>, vector<16xf32>)  : i32 {
        %mul3A_144 = arith.constant 2 : i32
        %mul3A_145 = arith.muli %scan3A_135, %mul3A_144 : i32
        %add3A_146 = arith.constant 0 : i32
        %add3A_147 = arith.addi %mul3A_145, %add3A_146 : i32
        %get3A = arith.index_cast %add3A_147 : i32 to index
        %get3A_148 = arith.constant 0 : index
        %get3A_149 = tpu.vector_load %arg6[%get3A, %get3A_148] {strides = array<i32>} : memref<200x128xi32, #tpu.memory_space<vmem>>, vector<16xi32>,
        %gather3A = tpu.vector_load_idx %arg5[%get3A_149] : memref<102400xf32, #tpu.memory_space<vmem>>[vector<16xi32>], vector<16xf32>,
        %add3A_150 = arith.addf %scan3A_136, %gather3A : vector<16xf32>
        %get3A_151 = arith.index_cast %add3A_147 : i32 to index
        %get3A_152 = arith.constant 16 : index
        %get3A_153 = tpu.vector_load %arg6[%get3A_151, %get3A_152] {strides = array<i32>} : memref<200x128xi32, #tpu.memory_space<vmem>>, vector<16xi32>,
        %gather3A_154 = tpu.vector_load_idx %arg5[%get3A_153] : memref<102400xf32, #tpu.memory_space<vmem>>[vector<16xi32>], vector<16xf32>,
        %add3A_155 = arith.addf %scan3A_137, %gather3A_154 : vector<16xf32>
        %get3A_156 = arith.index_cast %add3A_147 : i32 to index
        %get3A_157 = arith.constant 32 : index
        %get3A_158 = tpu.vector_load %arg6[%get3A_156, %get3A_157] {strides = array<i32>} : memref<200x128xi32, #tpu.memory_space<vmem>>, vector<16xi32>,
        %gather3A_159 = tpu.vector_load_idx %arg5[%get3A_158] : memref<102400xf32, #tpu.memory_space<vmem>>[vector<16xi32>], vector<16xf32>,
        %add3A_160 = arith.addf %scan3A_138, %gather3A_159 : vector<16xf32>
        %get3A_161 = arith.index_cast %add3A_147 : i32 to index
        %get3A_162 = arith.constant 48 : index
        %get3A_163 = tpu.vector_load %arg6[%get3A_161, %get3A_162] {strides = array<i32>} : memref<200x128xi32, #tpu.memory_space<vmem>>, vector<16xi32>,
        %gather3A_164 = tpu.vector_load_idx %arg5[%get3A_163] : memref<102400xf32, #tpu.memory_space<vmem>>[vector<16xi32>], vector<16xf32>,
        %add3A_165 = arith.addf %scan3A_139, %gather3A_164 : vector<16xf32>
        %get3A_166 = arith.index_cast %add3A_147 : i32 to index
        %get3A_167 = arith.constant 64 : index
        %get3A_168 = tpu.vector_load %arg6[%get3A_166, %get3A_167] {strides = array<i32>} : memref<200x128xi32, #tpu.memory_space<vmem>>, vector<16xi32>,
        %gather3A_169 = tpu.vector_load_idx %arg5[%get3A_168] : memref<102400xf32, #tpu.memory_space<vmem>>[vector<16xi32>], vector<16xf32>,
        %add3A_170 = arith.addf %scan3A_140, %gather3A_169 : vector<16xf32>
        %get3A_171 = arith.index_cast %add3A_147 : i32 to index
        %get3A_172 = arith.constant 80 : index
        %get3A_173 = tpu.vector_load %arg6[%get3A_171, %get3A_172] {strides = array<i32>} : memref<200x128xi32, #tpu.memory_space<vmem>>, vector<16xi32>,
        %gather3A_174 = tpu.vector_load_idx %arg5[%get3A_173] : memref<102400xf32, #tpu.memory_space<vmem>>[vector<16xi32>], vector<16xf32>,
        %add3A_175 = arith.addf %scan3A_141, %gather3A_174 : vector<16xf32>
        %get3A_176 = arith.index_cast %add3A_147 : i32 to index
        %get3A_177 = arith.constant 96 : index
        %get3A_178 = tpu.vector_load %arg6[%get3A_176, %get3A_177] {strides = array<i32>} : memref<200x128xi32, #tpu.memory_space<vmem>>, vector<16xi32>,
        %gather3A_179 = tpu.vector_load_idx %arg5[%get3A_178] : memref<102400xf32, #tpu.memory_space<vmem>>[vector<16xi32>], vector<16xf32>,
        %add3A_180 = arith.addf %scan3A_142, %gather3A_179 : vector<16xf32>
        %get3A_181 = arith.index_cast %add3A_147 : i32 to index
        %get3A_182 = arith.constant 112 : index
        %get3A_183 = tpu.vector_load %arg6[%get3A_181, %get3A_182] {strides = array<i32>} : memref<200x128xi32, #tpu.memory_space<vmem>>, vector<16xi32>,
        %gather3A_184 = tpu.vector_load_idx %arg5[%get3A_183] : memref<102400xf32, #tpu.memory_space<vmem>>[vector<16xi32>], vector<16xf32>,
        %add3A_185 = arith.addf %scan3A_143, %gather3A_184 : vector<16xf32>
        %mul3A_186 = arith.constant 2 : i32
        %mul3A_187 = arith.muli %scan3A_135, %mul3A_186 : i32
        %add3A_188 = arith.constant 1 : i32
        %add3A_189 = arith.addi %mul3A_187, %add3A_188 : i32
        %get3A_190 = arith.index_cast %add3A_189 : i32 to index
        %get3A_191 = arith.constant 0 : index
        %get3A_192 = tpu.vector_load %arg6[%get3A_190, %get3A_191] {strides = array<i32>} : memref<200x128xi32, #tpu.memory_space<vmem>>, vector<16xi32>,
        %gather3A_193 = tpu.vector_load_idx %arg5[%get3A_192] : memref<102400xf32, #tpu.memory_space<vmem>>[vector<16xi32>], vector<16xf32>,
        %add3A_194 = arith.addf %add3A_150, %gather3A_193 : vector<16xf32>
        %get3A_195 = arith.index_cast %add3A_189 : i32 to index
        %get3A_196 = arith.constant 16 : index
        %get3A_197 = tpu.vector_load %arg6[%get3A_195, %get3A_196] {strides = array<i32>} : memref<200x128xi32, #tpu.memory_space<vmem>>, vector<16xi32>,
        %gather3A_198 = tpu.vector_load_idx %arg5[%get3A_197] : memref<102400xf32, #tpu.memory_space<vmem>>[vector<16xi32>], vector<16xf32>,
        %add3A_199 = arith.addf %add3A_155, %gather3A_198 : vector<16xf32>
        %get3A_200 = arith.index_cast %add3A_189 : i32 to index
        %get3A_201 = arith.constant 32 : index
        %get3A_202 = tpu.vector_load %arg6[%get3A_200, %get3A_201] {strides = array<i32>} : memref<200x128xi32, #tpu.memory_space<vmem>>, vector<16xi32>,
        %gather3A_203 = tpu.vector_load_idx %arg5[%get3A_202] : memref<102400xf32, #tpu.memory_space<vmem>>[vector<16xi32>], vector<16xf32>,
        %add3A_204 = arith.addf %add3A_160, %gather3A_203 : vector<16xf32>
        %get3A_205 = arith.index_cast %add3A_189 : i32 to index
        %get3A_206 = arith.constant 48 : index
        %get3A_207 = tpu.vector_load %arg6[%get3A_205, %get3A_206] {strides = array<i32>} : memref<200x128xi32, #tpu.memory_space<vmem>>, vector<16xi32>,
        %gather3A_208 = tpu.vector_load_idx %arg5[%get3A_207] : memref<102400xf32, #tpu.memory_space<vmem>>[vector<16xi32>], vector<16xf32>,
        %add3A_209 = arith.addf %add3A_165, %gather3A_208 : vector<16xf32>
        %get3A_210 = arith.index_cast %add3A_189 : i32 to index
        %get3A_211 = arith.constant 64 : index
        %get3A_212 = tpu.vector_load %arg6[%get3A_210, %get3A_211] {strides = array<i32>} : memref<200x128xi32, #tpu.memory_space<vmem>>, vector<16xi32>,
        %gather3A_213 = tpu.vector_load_idx %arg5[%get3A_212] : memref<102400xf32, #tpu.memory_space<vmem>>[vector<16xi32>], vector<16xf32>,
        %add3A_214 = arith.addf %add3A_170, %gather3A_213 : vector<16xf32>
        %get3A_215 = arith.index_cast %add3A_189 : i32 to index
        %get3A_216 = arith.constant 80 : index
        %get3A_217 = tpu.vector_load %arg6[%get3A_215, %get3A_216] {strides = array<i32>} : memref<200x128xi32, #tpu.memory_space<vmem>>, vector<16xi32>,
        %gather3A_218 = tpu.vector_load_idx %arg5[%get3A_217] : memref<102400xf32, #tpu.memory_space<vmem>>[vector<16xi32>], vector<16xf32>,
        %add3A_219 = arith.addf %add3A_175, %gather3A_218 : vector<16xf32>
        %get3A_220 = arith.index_cast %add3A_189 : i32 to index
        %get3A_221 = arith.constant 96 : index
        %get3A_222 = tpu.vector_load %arg6[%get3A_220, %get3A_221] {strides = array<i32>} : memref<200x128xi32, #tpu.memory_space<vmem>>, vector<16xi32>,
        %gather3A_223 = tpu.vector_load_idx %arg5[%get3A_222] : memref<102400xf32, #tpu.memory_space<vmem>>[vector<16xi32>], vector<16xf32>,
        %add3A_224 = arith.addf %add3A_180, %gather3A_223 : vector<16xf32>
        %get3A_225 = arith.index_cast %add3A_189 : i32 to index
        %get3A_226 = arith.constant 112 : index
        %get3A_227 = tpu.vector_load %arg6[%get3A_225, %get3A_226] {strides = array<i32>} : memref<200x128xi32, #tpu.memory_space<vmem>>, vector<16xi32>,
        %gather3A_228 = tpu.vector_load_idx %arg5[%get3A_227] : memref<102400xf32, #tpu.memory_space<vmem>>[vector<16xi32>], vector<16xf32>,
        %add3A_229 = arith.addf %add3A_185, %gather3A_228 : vector<16xf32>
        scf.yield %add3A_194, %add3A_199, %add3A_204, %add3A_209, %add3A_214, %add3A_219, %add3A_224, %add3A_229 : vector<16xf32>, vector<16xf32>, vector<16xf32>, vector<16xf32>, vector<16xf32>, vector<16xf32>, vector<16xf32>, vector<16xf32>
      }
      %scan3A_18 = arith.constant 100 : i32
      %mul3A_19 = arith.constant 5.000000e-03 : f32
      %mul3A_20 = vector.broadcast %mul3A_19 : f32 to vector<16xf32>
      %mul3A_21 = arith.mulf %scan3A_17#0, %mul3A_20 : vector<16xf32>
      %neg3A = arith.constant 0.000000e+00 : f32
      %neg3A_22 = vector.broadcast %neg3A : f32 to vector<16xf32>
      %neg3A_23 = arith.subf %neg3A_22, %mul3A_21 : vector<16xf32>
      %exp3A = math.exp %neg3A_23 : vector<16xf32>
      %add3A_24 = arith.constant 1.000000e+00 : f32
      %add3A_25 = vector.broadcast %add3A_24 : f32 to vector<16xf32>
      %add3A_26 = arith.addf %add3A_25, %exp3A : vector<16xf32>
      %div3A = arith.constant 1.000000e+00 : f32
      %div3A_27 = vector.broadcast %div3A : f32 to vector<16xf32>
      %div3A_28 = arith.divf %div3A_27, %add3A_26 : vector<16xf32>
      %swap3A = arith.constant 0 : index
      %swap3A_29 = tpu.vector_load %arg7[%swap3A] {strides = array<i32>} : memref<128xf32, #tpu.memory_space<vmem>>, vector<16xf32>,
      tpu.vector_store %arg7[%swap3A], %div3A_28 {strides = array<i32>} : memref<128xf32, #tpu.memory_space<vmem>>, vector<16xf32>,
      %mul3A_30 = arith.constant 5.000000e-03 : f32
      %mul3A_31 = vector.broadcast %mul3A_30 : f32 to vector<16xf32>
      %mul3A_32 = arith.mulf %scan3A_17#1, %mul3A_31 : vector<16xf32>
      %neg3A_33 = arith.constant 0.000000e+00 : f32
      %neg3A_34 = vector.broadcast %neg3A_33 : f32 to vector<16xf32>
      %neg3A_35 = arith.subf %neg3A_34, %mul3A_32 : vector<16xf32>
      %exp3A_36 = math.exp %neg3A_35 : vector<16xf32>
      %add3A_37 = arith.constant 1.000000e+00 : f32
      %add3A_38 = vector.broadcast %add3A_37 : f32 to vector<16xf32>
      %add3A_39 = arith.addf %add3A_38, %exp3A_36 : vector<16xf32>
      %div3A_40 = arith.constant 1.000000e+00 : f32
      %div3A_41 = vector.broadcast %div3A_40 : f32 to vector<16xf32>
      %div3A_42 = arith.divf %div3A_41, %add3A_39 : vector<16xf32>
      %swap3A_43 = arith.constant 16 : index
      %swap3A_44 = tpu.vector_load %arg7[%swap3A_43] {strides = array<i32>} : memref<128xf32, #tpu.memory_space<vmem>>, vector<16xf32>,
      tpu.vector_store %arg7[%swap3A_43], %div3A_42 {strides = array<i32>} : memref<128xf32, #tpu.memory_space<vmem>>, vector<16xf32>,
      %mul3A_45 = arith.constant 5.000000e-03 : f32
      %mul3A_46 = vector.broadcast %mul3A_45 : f32 to vector<16xf32>
      %mul3A_47 = arith.mulf %scan3A_17#2, %mul3A_46 : vector<16xf32>
      %neg3A_48 = arith.constant 0.000000e+00 : f32
      %neg3A_49 = vector.broadcast %neg3A_48 : f32 to vector<16xf32>
      %neg3A_50 = arith.subf %neg3A_49, %mul3A_47 : vector<16xf32>
      %exp3A_51 = math.exp %neg3A_50 : vector<16xf32>
      %add3A_52 = arith.constant 1.000000e+00 : f32
      %add3A_53 = vector.broadcast %add3A_52 : f32 to vector<16xf32>
      %add3A_54 = arith.addf %add3A_53, %exp3A_51 : vector<16xf32>
      %div3A_55 = arith.constant 1.000000e+00 : f32
      %div3A_56 = vector.broadcast %div3A_55 : f32 to vector<16xf32>
      %div3A_57 = arith.divf %div3A_56, %add3A_54 : vector<16xf32>
      %swap3A_58 = arith.constant 32 : index
      %swap3A_59 = tpu.vector_load %arg7[%swap3A_58] {strides = array<i32>} : memref<128xf32, #tpu.memory_space<vmem>>, vector<16xf32>,
      tpu.vector_store %arg7[%swap3A_58], %div3A_57 {strides = array<i32>} : memref<128xf32, #tpu.memory_space<vmem>>, vector<16xf32>,
      %mul3A_60 = arith.constant 5.000000e-03 : f32
      %mul3A_61 = vector.broadcast %mul3A_60 : f32 to vector<16xf32>
      %mul3A_62 = arith.mulf %scan3A_17#3, %mul3A_61 : vector<16xf32>
      %neg3A_63 = arith.constant 0.000000e+00 : f32
      %neg3A_64 = vector.broadcast %neg3A_63 : f32 to vector<16xf32>
      %neg3A_65 = arith.subf %neg3A_64, %mul3A_62 : vector<16xf32>
      %exp3A_66 = math.exp %neg3A_65 : vector<16xf32>
      %add3A_67 = arith.constant 1.000000e+00 : f32
      %add3A_68 = vector.broadcast %add3A_67 : f32 to vector<16xf32>
      %add3A_69 = arith.addf %add3A_68, %exp3A_66 : vector<16xf32>
      %div3A_70 = arith.constant 1.000000e+00 : f32
      %div3A_71 = vector.broadcast %div3A_70 : f32 to vector<16xf32>
      %div3A_72 = arith.divf %div3A_71, %add3A_69 : vector<16xf32>
      %swap3A_73 = arith.constant 48 : index
      %swap3A_74 = tpu.vector_load %arg7[%swap3A_73] {strides = array<i32>} : memref<128xf32, #tpu.memory_space<vmem>>, vector<16xf32>,
      tpu.vector_store %arg7[%swap3A_73], %div3A_72 {strides = array<i32>} : memref<128xf32, #tpu.memory_space<vmem>>, vector<16xf32>,
      %mul3A_75 = arith.constant 5.000000e-03 : f32
      %mul3A_76 = vector.broadcast %mul3A_75 : f32 to vector<16xf32>
      %mul3A_77 = arith.mulf %scan3A_17#4, %mul3A_76 : vector<16xf32>
      %neg3A_78 = arith.constant 0.000000e+00 : f32
      %neg3A_79 = vector.broadcast %neg3A_78 : f32 to vector<16xf32>
      %neg3A_80 = arith.subf %neg3A_79, %mul3A_77 : vector<16xf32>
      %exp3A_81 = math.exp %neg3A_80 : vector<16xf32>
      %add3A_82 = arith.constant 1.000000e+00 : f32
      %add3A_83 = vector.broadcast %add3A_82 : f32 to vector<16xf32>
      %add3A_84 = arith.addf %add3A_83, %exp3A_81 : vector<16xf32>
      %div3A_85 = arith.constant 1.000000e+00 : f32
      %div3A_86 = vector.broadcast %div3A_85 : f32 to vector<16xf32>
      %div3A_87 = arith.divf %div3A_86, %add3A_84 : vector<16xf32>
      %swap3A_88 = arith.constant 64 : index
      %swap3A_89 = tpu.vector_load %arg7[%swap3A_88] {strides = array<i32>} : memref<128xf32, #tpu.memory_space<vmem>>, vector<16xf32>,
      tpu.vector_store %arg7[%swap3A_88], %div3A_87 {strides = array<i32>} : memref<128xf32, #tpu.memory_space<vmem>>, vector<16xf32>,
      %mul3A_90 = arith.constant 5.000000e-03 : f32
      %mul3A_91 = vector.broadcast %mul3A_90 : f32 to vector<16xf32>
      %mul3A_92 = arith.mulf %scan3A_17#5, %mul3A_91 : vector<16xf32>
      %neg3A_93 = arith.constant 0.000000e+00 : f32
      %neg3A_94 = vector.broadcast %neg3A_93 : f32 to vector<16xf32>
      %neg3A_95 = arith.subf %neg3A_94, %mul3A_92 : vector<16xf32>
      %exp3A_96 = math.exp %neg3A_95 : vector<16xf32>
      %add3A_97 = arith.constant 1.000000e+00 : f32
      %add3A_98 = vector.broadcast %add3A_97 : f32 to vector<16xf32>
      %add3A_99 = arith.addf %add3A_98, %exp3A_96 : vector<16xf32>
      %div3A_100 = arith.constant 1.000000e+00 : f32
      %div3A_101 = vector.broadcast %div3A_100 : f32 to vector<16xf32>
      %div3A_102 = arith.divf %div3A_101, %add3A_99 : vector<16xf32>
      %swap3A_103 = arith.constant 80 : index
      %swap3A_104 = tpu.vector_load %arg7[%swap3A_103] {strides = array<i32>} : memref<128xf32, #tpu.memory_space<vmem>>, vector<16xf32>,
      tpu.vector_store %arg7[%swap3A_103], %div3A_102 {strides = array<i32>} : memref<128xf32, #tpu.memory_space<vmem>>, vector<16xf32>,
      %mul3A_105 = arith.constant 5.000000e-03 : f32
      %mul3A_106 = vector.broadcast %mul3A_105 : f32 to vector<16xf32>
      %mul3A_107 = arith.mulf %scan3A_17#6, %mul3A_106 : vector<16xf32>
      %neg3A_108 = arith.constant 0.000000e+00 : f32
      %neg3A_109 = vector.broadcast %neg3A_108 : f32 to vector<16xf32>
      %neg3A_110 = arith.subf %neg3A_109, %mul3A_107 : vector<16xf32>
      %exp3A_111 = math.exp %neg3A_110 : vector<16xf32>
      %add3A_112 = arith.constant 1.000000e+00 : f32
      %add3A_113 = vector.broadcast %add3A_112 : f32 to vector<16xf32>
      %add3A_114 = arith.addf %add3A_113, %exp3A_111 : vector<16xf32>
      %div3A_115 = arith.constant 1.000000e+00 : f32
      %div3A_116 = vector.broadcast %div3A_115 : f32 to vector<16xf32>
      %div3A_117 = arith.divf %div3A_116, %add3A_114 : vector<16xf32>
      %swap3A_118 = arith.constant 96 : index
      %swap3A_119 = tpu.vector_load %arg7[%swap3A_118] {strides = array<i32>} : memref<128xf32, #tpu.memory_space<vmem>>, vector<16xf32>,
      tpu.vector_store %arg7[%swap3A_118], %div3A_117 {strides = array<i32>} : memref<128xf32, #tpu.memory_space<vmem>>, vector<16xf32>,
      %mul3A_120 = arith.constant 5.000000e-03 : f32
      %mul3A_121 = vector.broadcast %mul3A_120 : f32 to vector<16xf32>
      %mul3A_122 = arith.mulf %scan3A_17#7, %mul3A_121 : vector<16xf32>
      %neg3A_123 = arith.constant 0.000000e+00 : f32
      %neg3A_124 = vector.broadcast %neg3A_123 : f32 to vector<16xf32>
      %neg3A_125 = arith.subf %neg3A_124, %mul3A_122 : vector<16xf32>
      %exp3A_126 = math.exp %neg3A_125 : vector<16xf32>
      %add3A_127 = arith.constant 1.000000e+00 : f32
      %add3A_128 = vector.broadcast %add3A_127 : f32 to vector<16xf32>
      %add3A_129 = arith.addf %add3A_128, %exp3A_126 : vector<16xf32>
      %div3A_130 = arith.constant 1.000000e+00 : f32
      %div3A_131 = vector.broadcast %div3A_130 : f32 to vector<16xf32>
      %div3A_132 = arith.divf %div3A_131, %add3A_129 : vector<16xf32>
      %swap3A_133 = arith.constant 112 : index
      %swap3A_134 = tpu.vector_load %arg7[%swap3A_133] {strides = array<i32>} : memref<128xf32, #tpu.memory_space<vmem>>, vector<16xf32>,
      tpu.vector_store %arg7[%swap3A_133], %div3A_132 {strides = array<i32>} : memref<128xf32, #tpu.memory_space<vmem>>, vector<16xf32>,
      "tpu.region"() ({
        %run_scoped3A = tpu.sem_alloc : memref<!tpu.dma_semaphore, #tpu.memory_space<semaphore_mem>>
        %dma_start3A = tpu.memref_slice %arg4[%mul3A_12] : memref<16384xf32, #tpu.memory_space<hbm>> -> memref<128xf32, #tpu.memory_space<hbm>>
        %dma_start3A_135 = tpu.memref_slice %arg4[%mul3A_12] : memref<16384xf32, #tpu.memory_space<hbm>> -> memref<128xf32, #tpu.memory_space<hbm>>
        tpu.enqueue_dma source(%arg7 : memref<128xf32, #tpu.memory_space<vmem>>) target(%dma_start3A_135 : memref<128xf32, #tpu.memory_space<hbm>>) target_semaphore(%run_scoped3A : memref<!tpu.dma_semaphore, #tpu.memory_space<semaphore_mem>>)
        %dma_wait3A = tpu.memref_slice %arg4[%mul3A_12] : memref<16384xf32, #tpu.memory_space<hbm>> -> memref<128xf32, #tpu.memory_space<hbm>>
        %dma_wait3A_136 = tpu.memref_slice %arg4[%mul3A_12] : memref<16384xf32, #tpu.memory_space<hbm>> -> memref<128xf32, #tpu.memory_space<hbm>>
        tpu.wait_dma2 semaphore(%run_scoped3A : memref<!tpu.dma_semaphore, #tpu.memory_space<semaphore_mem>>) src(%arg7 : memref<128xf32, #tpu.memory_space<vmem>>) dst(%dma_wait3A_136 : memref<128xf32, #tpu.memory_space<hbm>>)
        tpu.yield
      }) : () -> ()
    }
    %scan3A_6 = arith.constant 4 : i32
    return
  }
}

module attributes {stable_mosaic.version = 14 : i64} {
  func.func @_fold_table_kernel(%arg0: i32, %arg1: memref<20480x128xf32, #tpu.memory_space<vmem>>, %arg2: memref<1x128xf32, #tpu.memory_space<vmem>>, %arg3: memref<1x1xf32, #tpu.memory_space<vmem>>, %arg4: memref<1x20480xf32, #tpu.memory_space<vmem>>) attributes {dimension_semantics = [#tpu.dimension_semantics<arbitrary>], iteration_bounds = array<i64: 5>, scalar_prefetch = 0 : i64, scratch_operands = 0 : i64, tpu.core_type = #tpu.core_type<tc>, window_params = [{transform_indices = @transform_0, window_bounds = array<i64: 20480, 128>}, {pipeline_mode = #tpu.pipeline_mode<synchronous>, transform_indices = @transform_1, window_bounds = array<i64: 1, 128>}, {pipeline_mode = #tpu.pipeline_mode<synchronous>, transform_indices = @transform_2, window_bounds = array<i64: 1, 1>}, {transform_indices = @transform_3, window_bounds = array<i64: 1, 20480>}]} {
    %get3A = arith.constant 0 : index
    %get3A_0 = arith.constant 0 : index
    %get3A_1 = vector.load %arg2[%get3A, %get3A_0] : memref<1x128xf32, #tpu.memory_space<vmem>>, vector<1x128xf32>
    %get3A_2 = arith.constant 0 : index
    %get3A_3 = arith.constant 0 : index
    %get3A_4 = vector.load %arg1[%get3A_2, %get3A_3] : memref<20480x128xf32, #tpu.memory_space<vmem>>, vector<20480x128xf32>
    %dot_general3A = arith.constant dense<0.000000e+00> : vector<1x20480xf32>
    %dot_general3A_5 = tpu.matmul %get3A_1, %get3A_4, %dot_general3A {dimension_numbers = #tpu.dot_dimension_numbers<[1], [1], [0], [0], [0, 0, 1, 0], [], []>, transpose_lhs_hint = false} : vector<1x128xf32>, vector<20480x128xf32>, vector<1x20480xf32> -> vector<1x20480xf32>
    %get3A_6 = arith.constant 0 : index
    %get3A_7 = arith.constant 0 : index
    %get3A_8 = vector.load %arg3[%get3A_6, %get3A_7] : memref<1x1xf32, #tpu.memory_space<vmem>>, vector<1x1xf32>
    %add3A = vector.broadcast %get3A_8 : vector<1x1xf32> to vector<1x20480xf32>
    %add3A_9 = arith.addf %dot_general3A_5, %add3A : vector<1x20480xf32>
    %swap3A = arith.constant 0 : index
    %swap3A_10 = arith.constant 0 : index
    %swap3A_11 = vector.load %arg4[%swap3A, %swap3A_10] : memref<1x20480xf32, #tpu.memory_space<vmem>>, vector<1x20480xf32>
    tpu.vector_store %arg4[%swap3A, %swap3A_10], %add3A_9 {strides = array<i32>} : memref<1x20480xf32, #tpu.memory_space<vmem>>, vector<1x20480xf32>,
    return
  }
  func.func @transform_0(%arg0: i32) -> (i32, i32) {
    %c0_i32 = arith.constant 0 : i32
    %c0_i32_0 = arith.constant 0 : i32
    return %arg0, %c0_i32 : i32, i32
  }
  func.func @transform_1(%arg0: i32) -> (i32, i32) {
    %c0_i32 = arith.constant 0 : i32
    %c0_i32_0 = arith.constant 0 : i32
    %c0_i32_1 = arith.constant 0 : i32
    return %c0_i32, %c0_i32_0 : i32, i32
  }
  func.func @transform_2(%arg0: i32) -> (i32, i32) {
    %c0_i32 = arith.constant 0 : i32
    %c0_i32_0 = arith.constant 0 : i32
    %c0_i32_1 = arith.constant 0 : i32
    return %c0_i32, %c0_i32_0 : i32, i32
  }
  func.func @transform_3(%arg0: i32) -> (i32, i32) {
    %c0_i32 = arith.constant 0 : i32
    %c0_i32_0 = arith.constant 0 : i32
    return %c0_i32, %arg0 : i32, i32
  }
}

</mosaic_0001>

<sc_bundles>
// kernel: kernel.4.cloned.1.call-start
scs
__scs_entry_jumppad:
0x0: {  	(pc) =	sbr.rel $0x88, $3  }
0x1: {  	(tag) =	ssettag $0x0;
	lr =	simm.s32 $0x1  }
0x2: {  	[smem:$0x3F9D] =	sst lr;
	_ =	strace $0xD0000000  }
0x3: {  	_ = 	snop  }
0x4: {  	_ = 	snop  }
0x5: {  	_ = 	snop  }
0x6: {  	_ = 	snop  }
0x7: {  	_ = 	snop  }
__scs_overlays_trampoline_lowered:
0x8: {  	[smem:$0x3FAC] =	sst s0  }
0x9: {  	[smem:$0x3FAD] =	sst s1  }
0xa: {  	[smem:$0x3FAE] =	sst s2  }
0xb: {  	[smem:$0x3FAF] =	sst s3  }
0xc: {  	[smem:$0x3FB0] =	sst s4  }
0xd: {  	[smem:$0x3FB1] =	sst s5  }
0xe: {  	[smem:$0x3FB2] =	sst s6  }
0xf: {  	[smem:$0x3FB3] =	sst s7  }
0x10: {  	[smem:$0x3FB4] =	sst s8  }
0x11: {  	[smem:$0x3FB5] =	sst s9;
	s0 =	simm.s32 @!p0 $0x0  }
0x12: {  	s1 =	sld [smem:$0x3F9B];
	s0 =	simm.s32 @p0 $0x1  }
0x13: {  	[smem:$0x3FB6] =	sst s0;
	s0 =	simm.s32 @!p1 $0x0  }
0x14: {  	s2 =	sld [smem:$0x3F9A];
	s0 =	simm.s32 @p1 $0x1  }
0x15: {  	[smem:$0x3FB7] =	sst s0;
	s0 =	simm.s32 @!p2 $0x0  }
0x16: {  	s3 =	sld [smem:$0x3FDB];
	s0 =	simm.s32 @p2 $0x1  }
0x17: {  	s4 =	simm.s32 $0x1BF5;
	[smem:$0x3FB9] =	sst s0  }
0x18: {  	s0 =	sld [smem:$0x3F9C];
	_ =	swait.ge [sflag:s4], $0x0  }
0x19: {  	s7 =	sld [smem:$0x3F9D]  }
0x1a: {  	s8 =	sadd.s32 $0xFFFFE003, lr  }
0x1b: {  	s9 =	sadd.s32 $0xFFFFFEF7, lr;
	s5 =	simm.s32 $0xFFFFFFFF;
	p2 =	slt.u32 s8, $0xFFFFF086  }
0x1c: {  	p1 =	slt.u32 s9, $0xF7A;
	s5 =	simm.s32 @!p2 $0x0  }
0x1d: {  	s5 =	simm.s32 @p1 $0x1;
	p0 =	seq.s32 s7, s2  }
0x1e: {  	s7 =	smul.u32 @!p0 $0xF7A, s2;
	p2 =	seq.s32 @!p0 s5, $0x0  }
0x1f: {  	s9 =	smul.u32 $0xF7A, s1;
	s8 =	simm.s32 @!p0 $0x1BF5;
	p2 =	por !p2, p0  }
0x20: {  	[sflag:s8] =	ssyncset.s32 @!p0 $0xFFFFF086;
	s6 =	sadd.s32 @!p0 s3, s7;
	s7 =	simm.s32 @!p0 $0x108  }
0x21: {  	s3 =	sadd.s32 s3, s9;
	s6 =	sadd.s32 @!p0 $0x88, s6;
	s7 =	simm.s32 @p2 $0x1082  }
0x22: {  	[simem:s7], [sflag:s8] =	dma.local @!p0 [hbm:s6], $0xF7A  }
0x23: {  	s9 =	sor.u32 $0xD0000000, s2;
	s6 =	simm.s32 $0x108;
	_ =	swait.ge @!p0 [sflag:s8], $0x0  }
0x24: {  	s3 =	sadd.s32 $0x88, s3;
	s6 =	simm.s32 @!p1 $0x1082;
	[sflag:s4] =	ssyncset.s32 $0xFFFFF086  }
0x25: {  	[simem:s6], [sflag:s4] =	dma.local [hbm:s3], $0xF7A  }
0x26: {  	[smem:$0x3F9D] =	sst s1;
	(tag) =	ssettag s2;
	_ =	strace s9  }
0x27: {  	s1 =	sld [smem:$0x3FAD]  }
0x28: {  	s2 =	sld [smem:$0x3FAE]  }
0x29: {  	s4 =	sld [smem:$0x3FB0]  }
0x2a: {  	p0 =	seq.s32 s5, $0x0;
	s5 =	sld [smem:$0x3FB1]  }
0x2b: {  	s6 =	sld [smem:$0x3FB2]  }
0x2c: {  	s7 =	sld [smem:$0x3FB3]  }
0x2d: {  	s3 =	simm.s32 $0x108;
	s8 =	sld [smem:$0x3FB4]  }
0x2e: {  	s3 =	simm.s32 @!p0 $0x1082;
	s9 =	sld [smem:$0x3FB5]  }
0x2f: {  	lr =	sadd.s32 s0, s3;
	s0 =	sld [smem:$0x3FAC]  }
0x30: {  	s3 =	sld [smem:$0x3FAF]  }
0x31: {  	[smem:$0x3FB8] =	sst s10  }
0x32: {  	s10 =	sld [smem:$0x3FB6];
	_ =	sdelay $0x3  }
0x33: {  	p0 =	seq.s32 s10, $0x1;
	s10 =	sld [smem:$0x3FB8];
	_ =	sdelay $0x3  }
0x34: {  	[smem:$0x3FB8] =	sst s10  }
0x35: {  	s10 =	sld [smem:$0x3FB7];
	_ =	sdelay $0x3  }
0x36: {  	p1 =	seq.s32 s10, $0x1;
	s10 =	sld [smem:$0x3FB8];
	_ =	sdelay $0x3  }
0x37: {  	[smem:$0x3FB8] =	sst s10  }
0x38: {  	s10 =	sld [smem:$0x3FB9]  }
0x39: {  	_ = 	snop;
	(pc) =	sbr.ind lr, $3  }
0x3a: {  	_ = 	snop  }
0x3b: {  	_ = 	snop  }
0x3c: {  	p2 =	seq.s32 s10, $0x1;
	s10 =	sld [smem:$0x3FB8]  }
0x3d: {  	_ =	shalt  }
0x3e: {  	_ =	shalt  }
0x3f: {  	_ =	shalt  }
0x40: {  	_ =	shalt  }
0x41: {  	_ =	shalt  }
0x42: {  	_ =	shalt  }
0x43: {  	_ =	shalt  }
0x44: {  	_ =	shalt  }
0x45: {  	_ =	shalt  }
0x46: {  	_ =	shalt  }
0x47: {  	_ =	shalt  }
0x48: {  	_ =	shalt  }
0x49: {  	_ =	shalt  }
0x4a: {  	_ =	shalt  }
0x4b: {  	_ =	shalt  }
0x4c: {  	_ =	shalt  }
0x4d: {  	_ =	shalt  }
0x4e: {  	_ =	shalt  }
0x4f: {  	_ =	shalt  }
0x50: {  	_ =	shalt  }
0x51: {  	_ =	shalt  }
0x52: {  	_ =	shalt  }
0x53: {  	_ =	shalt  }
0x54: {  	_ =	shalt  }
0x55: {  	_ =	shalt  }
0x56: {  	_ =	shalt  }
0x57: {  	_ =	shalt  }
0x58: {  	_ =	shalt  }
0x59: {  	_ =	shalt  }
0x5a: {  	_ =	shalt  }
0x5b: {  	_ =	shalt  }
0x5c: {  	_ =	shalt  }
0x5d: {  	_ =	shalt  }
0x5e: {  	_ =	shalt  }
0x5f: {  	_ =	shalt  }
0x60: {  	_ =	shalt  }
0x61: {  	_ =	shalt  }
0x62: {  	_ =	shalt  }
0x63: {  	_ =	shalt  }
0x64: {  	_ =	shalt  }
0x65: {  	_ =	shalt  }
0x66: {  	_ =	shalt  }
0x67: {  	_ =	shalt  }
0x68: {  	_ =	shalt  }
0x69: {  	_ =	shalt  }
0x6a: {  	_ =	shalt  }
0x6b: {  	_ =	shalt  }
0x6c: {  	_ =	shalt  }
0x6d: {  	_ =	shalt  }
0x6e: {  	_ =	shalt  }
0x6f: {  	_ =	shalt  }
0x70: {  	_ =	shalt  }
0x71: {  	_ =	shalt  }
0x72: {  	_ =	shalt  }
0x73: {  	_ =	shalt  }
0x74: {  	_ =	shalt  }
0x75: {  	_ =	shalt  }
0x76: {  	_ =	shalt  }
0x77: {  	_ =	shalt  }
0x78: {  	_ =	shalt  }
0x79: {  	_ =	shalt  }
0x7a: {  	_ =	shalt  }
0x7b: {  	_ =	shalt  }
0x7c: {  	_ =	shalt  }
0x7d: {  	_ =	shalt  }
0x7e: {  	_ =	shalt  }
0x7f: {  	_ =	shalt  }
0x80: {  	_ =	shalt  }
0x81: {  	_ =	shalt  }
0x82: {  	_ =	shalt  }
0x83: {  	_ =	shalt  }
0x84: {  	_ =	shalt  }
0x85: {  	_ =	shalt  }
0x86: {  	_ =	shalt  }
0x87: {  	_ =	shalt  }
.Lfunc_end0:
.L_simem_size_0:
called_computation_lowered:
.L_overlay_start_0:
0x88: {  	s2 =	sld [smem:$0x3FD9]  }
0x89: {  	s3 =	sld [smem:$0x3FFE];
	_ =	sdelay $0x1  }
0x8a: {  	s1 =	srdreg.scid  }
0x8b: {  	s0 =	sand.u32 $0x1, s1  }
0x8c: {  	s17 =	sshll.u32 s0, $0xA;
	s2 =	sadd.s32 s3, s2  }
0x8d: {  	s2 =	sadd.s32 s2, s17  }
0x8e: {  	[smem:$0x3FC4] =	sst s2  }
0x8f: {  	_ = 	snop  }
0x90: {  	s2 =	sld [smem:$0x3FC9]  }
0x91: {  	s18 =	sld [smem:$0x3FD0];
	(tm) =	ssettm $0x1  }
0x92: {  	s4 =	sld [smem:$0x3FFB];
	_ =	sdelay $0x3  }
0x93: {  	_ =	strace s4  }
0x94: {  	s4 =	sld [smem:$0x3FFC];
	_ =	sdelay $0x3  }
0x95: {  	_ =	strace s4  }
0x96: {  	s4 =	sld [smem:$0x3FFD];
	_ =	sdelay $0x3  }
0x97: {  	_ =	strace s4  }
0x98: {  	_ =	strace $0x8FFFFFFF  }
0x99: {  	s19 =	sld [smem:$0x3FDB];
	_ =	sdelay $0x1  }
0x9a: {  	s5 =	simm.s32 $_scs_section_size  }
0x9b: {  	s6 =	simm.s32 $_size__tile_overlayer_lowered;
	s7 =	simm.s32 $_tile_overlayer_lowered  }
0x9c: {  	s22 =	simm.s32 $0x1BFF;
	s21 =	sshll.u32 s7, $0x1;
	s4 =	sadd.s32 s5, s19  }
0x9d: {  	s8 =	simm.s32 $0x0;
	s20 =	sshll.u32 s6, $0x1;
	s6 =	sadd.s32 s21, s4  }
0x9e: {  	[timem:s8], [sflag:s22] =	dma.local [hbm:s6], s20  }
0x9f: {  	_ =	swait.ge [sflag:s22], s20  }
0xa0: {  	s5 =	ssub.s32 $0x0, s20;
	[sflag:s22] =	ssyncset.done $0x0  }
0xa1: {  	[sflag:s22] =	ssyncadd.s32 s5;
	_ =	sdelay $0x1  }
0xa2: {  	s23 =	simm.s32 $0x1B8B  }
0xa3: {  	_ =	swait.ge [sflag:s23], $0x1  }
0xa4: {  	[sflag:s23] =	ssyncset.done $0x0  }
0xa5: {  	s25 =	simm.s32 $0x1B8E;
	s24 =	sld [smem:$0x3FFE];
	[sflag:s23] =	ssyncadd.s32 $0xFFFFFFFF  }
0xa6: {  	s26 =	simm.s32 $execute0_lowered;
	[smem:$0x3FD2] =	sst s25  }
0xa7: {  	s6 =	sshll.u32 s26, $0x1;
	_ =	strace $0x80000046;
	[dreg:$0x1] =	wrdreg $0xFFFFFFFF  }
0xa8: {  	s28 =	simm.s32 $_size_execute0_lowered;
	s4 =	sadd.s32 s4, s6;
	[dreg:$0x0] =	wrdreg $0x0  }
0xa9: {  	s6 =	sshll.u32 s28, $0x1;
	[dreg:$0x2] =	wrdreg s4  }
0xaa: {  	[dreg:$0x3] =	wrdreg s6  }
0xab: {  	[dreg:$0x4] =	wrdreg $0xC0  }
0xac: {  	_ =	task [dreg:s8], $0x5FFFF  }
0xad: {  	[dreg:$0x1] =	wrdreg $0xFFFFFFFF  }
0xae: {  	[dreg:$0x0] =	wrdreg $0x60  }
0xaf: {  	[dreg:$0x2] =	wrdreg s24  }
0xb0: {  	[dreg:$0x3] =	wrdreg s2  }
0xb1: {  	[dreg:$0x4] =	wrdreg s18  }
0xb2: {  	[dreg:$0x5] =	wrdreg $0x9  }
0xb3: {  	_ =	task.clear_ibuf [dreg:s8], $0x6FFFF;
	_ =	strace $0x90000046  }
0xb4: {  	s29 =	simm.s32 $0x9;
	_ =	strace $0x80000048  }
0xb5: {  	_ =	swait.ge [sflag:s29], $0x1  }
0xb6: {  	[sflag:s29] =	ssyncadd.s32 $0xFFFFFFFF  }
0xb7: {  	_ =	strace $0x90000048  }
0xb8: {  	_ =	sfence  }
0xb9: {  	s30 =	sld [smem:$0x0];
	_ =	sdelay $0x2  }
0xba: {  	s31 =	sshll.u32 s1, $0xD;
	s1 =	sshrl.u32 s1, $0x2  }
0xbb: {  	s3 =	sand.u32 $0x4000, s31;
	s1 =	sadd.s32 s1, s30  }
0xbc: {  	s0 =	sor.u32 s3, s0;
	s1 =	sshll.u32 s1, $0x11  }
0xbd: {  	s0 =	sor.u32 s1, s0  }
0xbe: {  	s0 =	sadd.s32 $0x8F2B, s0  }
0xbf: {  	[sflag:s0] =	ssyncadd.remote.s32 $0x1  }
0xc0: {  	_ =	sfence.sel $0xFFFF  }
0xc1: {  	[dreg:$0x0] =	wrdreg $0xFFFFFFFF;
	(pc) =	sbr.abs _section_cstart, $3  }
0xc2: {  	[dreg:$0x1] =	wrdreg $0xFFFFFFFF  }
0xc3: {  	_ =	task.clear_ibuf [dreg:s8], $0x2FFFF;
	_ =	strace $0x9FFFFFFF  }
0xc4: {  	(tm) =	ssettm $0x7FFFFFFF  }
0xc5: {  	_ =	shalt  }
tec
execute0_lowered:
.L_overlay_start_1:
0x0: {  	(tag) =	ssettag $0x1  }
0x1: {  	s5 =	rddreg [dreg:$0x0]  }
0x2: {  	s1 =	rddreg [dreg:$0x1]  }
0x3: {  	s2 =	rddreg [dreg:$0x2]  }
0x4: {  	s4 =	srdreg.scid;
	s0 =	rddreg [dreg:$0x3];
	s3 =	simm.s32 $0x0  }
0x5: {  	s9 =	simm.s32 $0x400;
	s10 =	simm.s32 $0x20000;
	s11 =	simm.s32 $0x19000  }
0x6: {  	s12 =	simm.s32 $0x1F400;
	s13 =	simm.s32 $0x0;
	s6 =	sand.u32 $0x1, s4  }
0x7: {  	[smem:$0x7FF] =	sst s3;
	s4 =	stileid.u32;
	s7 =	ssub.s32 $0x2, s6  }
0x8: {  	s5 =	sadd.s32 $0x800, s5;
	_ =	strace $0x80000047;
	s8 =	sshrl.u32 s7, $0x1  }
0x9: {  	s31 =	sshll.u32 s4, $0x3;
	s6 =	sshll.u32 s6, $0x2;
	s7 =	ssub.s32 s7, s8  }
0xa: {  	s6 =	sor.u32 s6, s31;
	s8 =	simm.s32 $0x1;
	s7 =	smax.u32 s7, $0x1  }
.LBB2_1:
0xb: {  	[tilespmem:s3], [sflag:$0x1] =	stream.linear.gather [hbm4b:s5+s3], $0x19000, $0x38;
	[tilespmem:$0x1F480] =	vst v63  }
0xc: {  	_ =	swait.ge [sflag:s8], $0x19000  }
0xd: {  	[sflag:s8] =	ssyncset.done $0x0  }
0xe: {  	s14 =	simm.s32 $0x0;
	[sflag:s8] =	ssyncadd.s32 $0xFFFE7000  }
.LBB2_2:
0xf: {  	s15 =	sadd.s32 s6, s14  }
0x10: {  	s16 =	sshll.u32 s15, $0x7  }
0x11: {  	s16 =	sadd.s32 s1, s16  }
0x12: {  	[tilespmem:s11], [sflag:$0x1] =	stream.strided.gather [hbm4b:s16+s9], $0x6400, s10, s9, $0x38;
	[tilespmem:$0x1F480] =	vst v63  }
0x13: {  	_ =	swait.ge [sflag:s8], $0x6400  }
0x14: {  	[sflag:s8] =	ssyncset.done $0x0  }
0x15: {  	s31 =	simm.s32 $0x0;
	[sflag:s8] =	ssyncadd.s32 $0xFFFF9C00  }
0x16: {  	v1 =	vld [tilespmem:s31+$0x19080]  }
0x17: {  	v2 =	vld [tilespmem:s31+$0x19090]  }
0x18: {  	v4 =	vld [tilespmem:s31+$0x190A0]  }
0x19: {  	v5 =	vld [tilespmem:s31+$0x190B0]  }
0x1a: {  	v12 =	vld [tilespmem:s31+$0x190C0]  }
0x1b: {  	v7 =	vld [tilespmem:s31+$0x190D0]  }
0x1c: {  	v3 =	vld [tilespmem:s31+$0x190E0]  }
0x1d: {  	v0 =	vld [tilespmem:s31+$0x190F0]  }
0x1e: {  	v23 =	vld [tilespmem:s31+$0x19000]  }
0x1f: {  	v21 =	vld [tilespmem:s31+$0x19010]  }
0x20: {  	v19 =	vld [tilespmem:s31+$0x19020]  }
0x21: {  	v17 =	vld [tilespmem:s31+$0x19030]  }
0x22: {  	v15 =	vld [tilespmem:s31+$0x19040]  }
0x23: {  	v11 =	vld [tilespmem:s31+$0x19050]  }
0x24: {  	v9 =	vld [tilespmem:s31+$0x19060]  }
0x25: {  	v6 =	vld [tilespmem:s31+$0x19070]  }
0x26: {  	v22 =	vld.idx.msk [tilespmem:v1+s3+$0x0], $0xffff  }
0x27: {  	v20 =	vld.idx.msk [tilespmem:v2+s3+$0x0], $0xffff  }
0x28: {  	v14 =	vimm.f32 $0.0e+00;
	v13 =	vimm.f32 $0.0e+00;
	v18 =	vld.idx.msk [tilespmem:v4+s3+$0x0], $0xffff  }
0x29: {  	v10 =	vimm.f32 $0.0e+00;
	v8 =	vimm.f32 $0.0e+00;
	v16 =	vld.idx.msk [tilespmem:v5+s3+$0x0], $0xffff;
	v5 =	vimm.f32 $0.0e+00  }
0x2a: {  	s16 =	simm.s32 $0x400;
	v12 =	vld.idx.msk [tilespmem:v12+s3+$0x0], $0xffff;
	v4 =	vimm.f32 $0.0e+00;
	v2 =	vimm.f32 $0.0e+00;
	v1 =	vimm.f32 $0.0e+00  }
.LBB2_3:
0x2b: {  	p0 =	sne.s32 s16, $0x18C00;
	v7 =	vld.idx.msk [tilespmem:v7+s3+$0x0], $0xffff  }
0x2c: {  	v23 =	vld.idx.msk [tilespmem:v23+s3+$0x0], $0xffff  }
0x2d: {  	v21 =	vld.idx.msk [tilespmem:v21+s3+$0x0], $0xffff  }
0x2e: {  	v19 =	vld.idx.msk [tilespmem:v19+s3+$0x0], $0xffff  }
0x2f: {  	v17 =	vld.idx.msk [tilespmem:v17+s3+$0x0], $0xffff  }
0x30: {  	v15 =	vld.idx.msk [tilespmem:v15+s3+$0x0], $0xffff  }
0x31: {  	v11 =	vld.idx.msk [tilespmem:v11+s3+$0x0], $0xffff  }
0x32: {  	v9 =	vld.idx.msk [tilespmem:v9+s3+$0x0], $0xffff  }
0x33: {  	v6 =	vld.idx.msk [tilespmem:v6+s3+$0x0], $0xffff  }
0x34: {  	v14 =	vadd.f32 v23, v14;
	v13 =	vadd.f32 v21, v13;
	v3 =	vld.idx.msk [tilespmem:v3+s3+$0x0], $0xffff  }
0x35: {  	s17 =	sshra.s32 s16, $0x2;
	v10 =	vadd.f32 v19, v10;
	v8 =	vadd.f32 v17, v8;
	v0 =	vld.idx.msk [tilespmem:v0+s3+$0x0], $0xffff  }
0x36: {  	v14 =	vadd.f32 v22, v14;
	v13 =	vadd.f32 v20, v13;
	v24 =	vld [tilespmem:s17+$0x19080]  }
0x37: {  	v10 =	vadd.f32 v18, v10;
	v8 =	vadd.f32 v16, v8;
	v20 =	vld [tilespmem:s17+$0x19090]  }
0x38: {  	v5 =	vadd.f32 v15, v5;
	v4 =	vadd.f32 v11, v4;
	v16 =	vld [tilespmem:s17+$0x190A0]  }
0x39: {  	v2 =	vadd.f32 v9, v2;
	v1 =	vadd.f32 v6, v1;
	v25 =	vld [tilespmem:s17+$0x190B0]  }
0x3a: {  	v5 =	vadd.f32 v12, v5;
	v4 =	vadd.f32 v7, v4;
	v26 =	vld [tilespmem:s17+$0x190C0]  }
0x3b: {  	v2 =	vadd.f32 v3, v2;
	v1 =	vadd.f32 v0, v1;
	v7 =	vld [tilespmem:s17+$0x190D0]  }
0x3c: {  	v3 =	vld [tilespmem:s17+$0x190E0]  }
0x3d: {  	v0 =	vld [tilespmem:s17+$0x190F0]  }
0x3e: {  	v23 =	vld [tilespmem:s17+$0x19000]  }
0x3f: {  	v21 =	vld [tilespmem:s17+$0x19010]  }
0x40: {  	v19 =	vld [tilespmem:s17+$0x19020]  }
0x41: {  	v17 =	vld [tilespmem:s17+$0x19030]  }
0x42: {  	v15 =	vld [tilespmem:s17+$0x19040]  }
0x43: {  	v11 =	vld [tilespmem:s17+$0x19050]  }
0x44: {  	v9 =	vld [tilespmem:s17+$0x19060]  }
0x45: {  	v6 =	vld [tilespmem:s17+$0x19070]  }
.Ltmp0:
0x46: {  	v22 =	vld.idx.msk [tilespmem:v24+s3+$0x0], $0xffff;
	(pc) =	sbr.rel @p0 .LBB2_3-.Ltmp0, $4  }
0x47: {  	v20 =	vld.idx.msk [tilespmem:v20+s3+$0x0], $0xffff  }
0x48: {  	v18 =	vld.idx.msk [tilespmem:v16+s3+$0x0], $0xffff  }
0x49: {  	v16 =	vld.idx.msk [tilespmem:v25+s3+$0x0], $0xffff  }
0x4a: {  	s16 =	sadd.s32 $0x400, s16;
	v12 =	vld.idx.msk [tilespmem:v26+s3+$0x0], $0xffff  }
0x4b: {  	_ =	sdelay $0x3  }
0x4c: {  	v23 =	vld.idx.msk [tilespmem:v23+s3+$0x0], $0xffff;
	_ =	sdelay $0x4  }
0x4d: {  	v14 =	vadd.f32 v23, v14;
	_ =	sdelay $0x1  }
0x4e: {  	v14 =	vadd.f32 v22, v14;
	_ =	sdelay $0x1  }
0x4f: {  	v14 =	vmul.f32 $4.999999890e-03, v14;
	_ =	sdelay $0x1  }
0x50: {  	v14 =	vsub.f32 $0.0e+00, v14;
	_ =	sdelay $0x1  }
0x51: {  	v21 =	vld.idx.msk [tilespmem:v21+s3+$0x0], $0xffff;
	v14 =	vmul.f32 $1.442695020e+00, v14;
	_ =	sdelay $0x1  }
0x52: {  	(erf) = vpow2.f32 v14;
	_ =	sdelay $0x2  }
0x53: {  	v13 =	vadd.f32 v21, v13;
	_ =	sdelay $0x1  }
0x54: {  	v13 =	vadd.f32 v20, v13;
	_ =	sdelay $0x1  }
0x55: {  	v13 =	vmul.f32 $4.999999890e-03, v13;
	_ =	sdelay $0x1  }
0x56: {  	v13 =	vsub.f32 $0.0e+00, v13;
	v14 =	vpop (erf)  }
0x57: {  	v14 =	vadd.f32 $1.000000000e+00, v14  }
0x58: {  	v19 =	vld.idx.msk [tilespmem:v19+s3+$0x0], $0xffff;
	v13 =	vmul.f32 $1.442695020e+00, v13  }
0x59: {  	(erf) = vrcp.f32 v14  }
0x5a: {  	(erf) = vpow2.f32 v13;
	_ =	sdelay $0x2  }
0x5b: {  	v10 =	vadd.f32 v19, v10;
	_ =	sdelay $0x1  }
0x5c: {  	v10 =	vadd.f32 v18, v10;
	_ =	sdelay $0x1  }
0x5d: {  	v10 =	vmul.f32 $4.999999890e-03, v10  }
0x5e: {  	v51 =	vpop (erf)  }
0x5f: {  	v10 =	vsub.f32 $0.0e+00, v10;
	v52 =	vpop (erf)  }
0x60: {  	v14 =	vadd.f32 $1.000000000e+00, v52  }
0x61: {  	v17 =	vld.idx.msk [tilespmem:v17+s3+$0x0], $0xffff;
	v10 =	vmul.f32 $1.442695020e+00, v10  }
0x62: {  	(erf) = vrcp.f32 v14  }
0x63: {  	(erf) = vpow2.f32 v10;
	_ =	sdelay $0x2  }
0x64: {  	v8 =	vadd.f32 v17, v8;
	_ =	sdelay $0x1  }
0x65: {  	v8 =	vadd.f32 v16, v8;
	_ =	sdelay $0x1  }
0x66: {  	v8 =	vmul.f32 $4.999999890e-03, v8  }
0x67: {  	v53 =	vpop (erf)  }
0x68: {  	v8 =	vsub.f32 $0.0e+00, v8;
	v54 =	vpop (erf)  }
0x69: {  	v14 =	vadd.f32 $1.000000000e+00, v54  }
0x6a: {  	v15 =	vld.idx.msk [tilespmem:v15+s3+$0x0], $0xffff;
	v8 =	vmul.f32 $1.442695020e+00, v8  }
0x6b: {  	(erf) = vrcp.f32 v14  }
0x6c: {  	(erf) = vpow2.f32 v8;
	_ =	sdelay $0x2  }
0x6d: {  	v5 =	vadd.f32 v15, v5;
	_ =	sdelay $0x1  }
0x6e: {  	v5 =	vadd.f32 v12, v5;
	_ =	sdelay $0x1  }
0x6f: {  	v5 =	vmul.f32 $4.999999890e-03, v5  }
0x70: {  	v55 =	vpop (erf)  }
0x71: {  	v5 =	vsub.f32 $0.0e+00, v5;
	v56 =	vpop (erf)  }
0x72: {  	v12 =	vadd.f32 $1.000000000e+00, v56  }
0x73: {  	v11 =	vld.idx.msk [tilespmem:v11+s3+$0x0], $0xffff;
	v5 =	vmul.f32 $1.442695020e+00, v5  }
0x74: {  	(erf) = vrcp.f32 v12  }
0x75: {  	v7 =	vld.idx.msk [tilespmem:v7+s3+$0x0], $0xffff;
	(erf) = vpow2.f32 v5;
	_ =	sdelay $0x2  }
0x76: {  	v4 =	vadd.f32 v11, v4;
	_ =	sdelay $0x1  }
0x77: {  	v4 =	vadd.f32 v7, v4;
	_ =	sdelay $0x1  }
0x78: {  	v4 =	vmul.f32 $4.999999890e-03, v4  }
0x79: {  	v57 =	vpop (erf)  }
0x7a: {  	v4 =	vsub.f32 $0.0e+00, v4;
	v58 =	vpop (erf)  }
0x7b: {  	v7 =	vadd.f32 $1.000000000e+00, v58  }
0x7c: {  	v9 =	vld.idx.msk [tilespmem:v9+s3+$0x0], $0xffff;
	v4 =	vmul.f32 $1.442695020e+00, v4  }
0x7d: {  	(erf) = vrcp.f32 v7  }
0x7e: {  	v3 =	vld.idx.msk [tilespmem:v3+s3+$0x0], $0xffff;
	(erf) = vpow2.f32 v4;
	_ =	sdelay $0x2  }
0x7f: {  	v2 =	vadd.f32 v9, v2;
	_ =	sdelay $0x1  }
0x80: {  	v2 =	vadd.f32 v3, v2;
	_ =	sdelay $0x1  }
0x81: {  	v2 =	vmul.f32 $4.999999890e-03, v2  }
0x82: {  	v59 =	vpop (erf)  }
0x83: {  	v2 =	vsub.f32 $0.0e+00, v2;
	v4 =	vpop (erf)  }
0x84: {  	v4 =	vadd.f32 $1.000000000e+00, v4  }
0x85: {  	v6 =	vld.idx.msk [tilespmem:v6+s3+$0x0], $0xffff;
	v2 =	vmul.f32 $1.442695020e+00, v2  }
0x86: {  	(erf) = vrcp.f32 v4  }
0x87: {  	v0 =	vld.idx.msk [tilespmem:v0+s3+$0x0], $0xffff;
	(erf) = vpow2.f32 v2;
	_ =	sdelay $0x2  }
0x88: {  	v1 =	vadd.f32 v6, v1;
	_ =	sdelay $0x1  }
0x89: {  	v0 =	vadd.f32 v0, v1;
	_ =	sdelay $0x1  }
0x8a: {  	v0 =	vmul.f32 $4.999999890e-03, v0  }
0x8b: {  	v60 =	vpop (erf)  }
0x8c: {  	v0 =	vsub.f32 $0.0e+00, v0;
	v2 =	vpop (erf)  }
0x8d: {  	v2 =	vadd.f32 $1.000000000e+00, v2  }
0x8e: {  	v0 =	vmul.f32 $1.442695020e+00, v0  }
0x8f: {  	(erf) = vrcp.f32 v2  }
0x90: {  	(erf) = vpow2.f32 v0;
	_ =	sdelay $0x7  }
0x91: {  	v61 =	vpop (erf)  }
0x92: {  	v62 =	vpop (erf)  }
0x93: {  	v2 =	vadd.f32 $1.000000000e+00, v62;
	_ =	sdelay $0x1  }
0x94: {  	(erf) = vrcp.f32 v2;
	_ =	sdelay $0x2  }
0x95: {  	[tilespmem:$0x1F400] =	vst v51  }
0x96: {  	[tilespmem:$0x1F410] =	vst v53  }
0x97: {  	[tilespmem:$0x1F420] =	vst v55  }
0x98: {  	[tilespmem:$0x1F430] =	vst v57  }
0x99: {  	[tilespmem:$0x1F440] =	vst v59  }
0x9a: {  	s14 =	sadd.s32 $0x1, s14;
	[tilespmem:$0x1F450] =	vst v60  }
0x9b: {  	s15 =	sshll.u32 s15, $0x4;
	p0 =	sne.s32 s14, $0x4;
	[tilespmem:$0x1F460] =	vst v61;
	v63 =	vpop (erf)  }
.Ltmp1:
0x9c: {  	s15 =	sadd.s32 s2, s15;
	[tilespmem:$0x1F470] =	vst v63;
	(pc) =	sbr.rel @p0 .LBB2_2-.Ltmp1, $4  }
0x9d: {  	[hbm4b:s15+s3] =	stream.linear.scatter [tilespmem:s12], [sflag:$0x1], $0x80, $0x38;
	[tilespmem:$0x1F480] =	vst v63  }
0x9e: {  	_ =	swait.ge [sflag:s8], $0x80  }
0x9f: {  	[sflag:s8] =	ssyncset.done $0x0  }
0xa0: {  	[sflag:s8] =	ssyncadd.s32 $0xFFFFFF80  }
0xa1: {  	s13 =	sadd.s32 $0x1, s13  }
0xa2: {  	p0 =	sne.s32 s13, s7  }
.Ltmp2:
0xa3: {  	_ = 	snop;
	(pc) =	sbr.rel @p0 .LBB2_1-.Ltmp2, $1  }
0xa4: {  	_ =	sdelay $0x3  }
0xa5: {  	_ =	sfence.sel $0x180000  }
0xa6: {  	[bflag:$0x0] =	sbarrier.arrive $0xFFFF  }
0xa7: {  	p0 =	sne.s32 s4, $0x0;
	_ =	strace $0x90000047  }
0xa8: {  	s0 =	sadd.s32 @!p0 $0x100000, s0;
	[bflag:$0x2] =	sbarrier.arrive $0xFFFF  }
0xa9: {  	[sflag:s0] =	ssyncadd.tile.s32 @!p0 $0x1;
	_ =	shalt  }
.Lfunc_end2:
_tile_overlayer_lowered:
.L_overlay_start_2:
0xaa: {  	(tag) =	ssettag $0x2  }
0xab: {  	s0 =	rddreg [dreg:$0x0];
	s2 =	stileid.u32  }
0xac: {  	s1 =	rddreg [dreg:$0x1];
	p0 =	sne.s32 s2, $0x0  }
0xad: {  	s3 =	rddreg [dreg:$0x2];
	[bflag:$0x3] =	sbarrier.arrive $0xFFFF;
	s2 =	simm.s32 @!p0 $0x1C01  }
0xae: {  	[timem:s3], [sflag:s2] =	dma.local @!p0 [hbm:s0], s1  }
0xaf: {  	s0 =	simm.s32 @!p0 $0x1  }
0xb0: {  	_ =	swait.ge @!p0 [sflag:s0], s1  }
0xb1: {  	s1 =	ssub.s32 @!p0 $0x0, s1;
	[sflag:s0] =	ssyncset.done @!p0 $0x0  }
0xb2: {  	[sflag:s0] =	ssyncadd.s32 @!p0 s1  }
0xb3: {  	[bflag:$0x3] =	sbarrier.arrive $0xFFFF  }
0xb4: {  	_ =	shalt  }

</sc_bundles>
